<compile_context>
chip_gen: v7x
topology: tpu7x:2x2x1
jax: 0.10.2.dev20260603
libtpu: 0.0.44.dev20260713+nightly
codegen_flags: <defaults>
</compile_context>

<pallas_src>
import functools

import jax
import jax.numpy as jnp
from jax import lax
from jax.experimental import pallas as pl
from jax.experimental.pallas import tpu as pltpu
from jax.experimental.pallas import tpu_sc as plsc

VOCAB = 1000000
EMBED_DIM = 32
BATCH = 16384
HIST_LEN = 200

NUM_CORES = 2
NUM_SUBCORES = 16
NUM_WORKERS = NUM_CORES * NUM_SUBCORES
ROWS_PER_WORKER = BATCH // NUM_WORKERS
CHUNK = 128
NUM_CHUNKS = ROWS_PER_WORKER // CHUNK
TOTAL_CHUNKS = BATCH // CHUNK
PACK = 8
NUM_STREAMS = HIST_LEN // PACK
ACC_ROWS = PACK * CHUNK
IDX_PER_CHUNK = HIST_LEN * CHUNK

_mesh = plsc.VectorSubcoreMesh(
    core_axis_name="c", subcore_axis_name="s",
    num_cores=NUM_CORES, num_subcores=NUM_SUBCORES,
)


@functools.partial(
    pl.kernel,
    out_type=jax.ShapeDtypeStruct((BATCH, EMBED_DIM), jnp.float32),
    mesh=_mesh,
    scratch_types=[
        pltpu.VMEM((IDX_PER_CHUNK,), jnp.int32),
        pltpu.VMEM((ACC_ROWS, EMBED_DIM), jnp.float32),
        pltpu.VMEM((CHUNK, EMBED_DIM), jnp.float32),
        pltpu.SemaphoreType.DMA,
    ],
    compiler_params=pltpu.CompilerParams(use_tc_tiling_on_sc=False),
)
def _embed_sum_pool(idx_hbm, table_hbm, out_hbm, idx_v, acc_v, out_v, sem):
    wid = lax.axis_index("s") * NUM_CORES + lax.axis_index("c")
    zeros = jnp.zeros((16,), jnp.float32)

    def chunk_body(ci, carry):
        chunk = wid * NUM_CHUNKS + ci
        cbase = chunk * CHUNK
        pltpu.sync_copy(idx_hbm.at[chunk], idx_v)

        def zero_body(r, c):
            acc_v[r, pl.ds(0, 16)] = zeros
            acc_v[r, pl.ds(16, 16)] = zeros
            return c

        lax.fori_loop(0, ACC_ROWS, zero_body, 0)

        def fire_body(j, c):
            pltpu.async_copy(
                table_hbm.at[idx_v.at[pl.ds(j * ACC_ROWS, ACC_ROWS)]],
                acc_v, sem, add=True,
            )
            return c

        lax.fori_loop(0, NUM_STREAMS, fire_body, 0)

        def drain_body(j, c):
            pltpu.make_async_copy(
                table_hbm.at[idx_v.at[pl.ds(0, ACC_ROWS)]], acc_v, sem
            ).wait()
            return c

        lax.fori_loop(0, NUM_STREAMS, drain_body, 0)

        def fold_body(r, c):
            for d in (0, 16):
                v = acc_v[r, pl.ds(d, 16)]
                for p in range(1, PACK):
                    v = v + acc_v[p * CHUNK + r, pl.ds(d, 16)]
                out_v[r, pl.ds(d, 16)] = v
            return c

        lax.fori_loop(0, CHUNK, fold_body, 0)
        pltpu.sync_copy(out_v, out_hbm.at[pl.ds(cbase, CHUNK)])
        return carry

    lax.fori_loop(0, NUM_CHUNKS, chunk_body, 0)


def kernel(inputs, table):
    idx_prep = (
        jnp.asarray(inputs, jnp.int32)
        .T.reshape(HIST_LEN, TOTAL_CHUNKS, CHUNK)
        .transpose(1, 0, 2)
        .reshape(TOTAL_CHUNKS, IDX_PER_CHUNK)
    )
    return _embed_sum_pool(idx_prep, table)

# --- scband reference (transcript-rebuilt; emitter-appended) ---
"""Pipeline reference for scband-mlp-78451872628814 (READ-ONLY COPY).

The authoritative reference and input builder live on the scoring server;
editing this copy changes nothing except your own understanding.
"""

import jax, jax.numpy as jnp
import numpy as np

VOCAB = 1000000
EMBED_DIM = 32
BATCH = 16384
HIST_LEN = 200


def setup_inputs(seed: int = 0) -> dict:
    key = jax.random.key(seed)
    k1, k2 = jax.random.split(key)
    inputs = jax.random.randint(k1, (BATCH, HIST_LEN), 0, VOCAB)
    table = jax.random.normal(k2, (VOCAB, EMBED_DIM), dtype=jnp.float32)
    # padding_idx=0: torch zeroes this row at init and freezes its gradient
    table = table.at[0].set(0.0)
    return {"inputs": inputs, "table": table}


def reference(inputs, table):
    # nn.Embedding(..., padding_idx=0) lookup
    emb = jnp.take(table, inputs, axis=0)  # [B, L, D]
    # padding positions map to the zero row; mask keeps semantics explicit
    mask = (inputs != 0).astype(table.dtype)[..., None]
    emb = emb * mask
    # torch.sum(x, dim=1) -> sum-pool over the sequence/history dimension
    outputs = jnp.sum(emb, axis=1)  # [B, D]
    return outputs

if __name__ == "__main__":
    import jax
    _d = setup_inputs()
    print(jax.jit(kernel)(*tuple(_d.values())))

</pallas_src>

<mosaic_0001>
#map = affine_map<(d0, d1) -> (0, 0)>
module attributes {stable_mosaic.version = 14 : i64} {
  func.func @_embed_sum_pool(%arg0: i32, %arg1: i32, %arg2: memref<128x25600xi32, #tpu.memory_space<hbm>>, %arg3: memref<1000000x32xf32, #tpu.memory_space<hbm>>, %arg4: memref<16384x32xf32, #tpu.memory_space<hbm>>, %arg5: memref<25600xi32, #tpu.memory_space<vmem>>, %arg6: memref<1024x32xf32, #tpu.memory_space<vmem>>, %arg7: memref<128x32xf32, #tpu.memory_space<vmem>>, %arg8: memref<!tpu.dma_semaphore, #tpu.memory_space<semaphore_mem>>) attributes {dimension_semantics = [#tpu.dimension_semantics<core_parallel>, #tpu.dimension_semantics<subcore_parallel>], iteration_bounds = array<i64: 2, 16>, scalar_prefetch = 0 : i64, scratch_operands = 4 : i64, tpu.core_type = #tpu.core_type<sc_vector_subcore>, window_params = [{transform_indices = #map}, {transform_indices = #map}, {transform_indices = #map}]} {
    %mul3A = arith.constant 2 : i32
    %mul3A_0 = arith.muli %arg1, %mul3A : i32
    %add3A = arith.addi %mul3A_0, %arg0 : i32
    %broadcast_in_dim3A = arith.constant 0.000000e+00 : f32
    %broadcast_in_dim3A_1 = vector.broadcast %broadcast_in_dim3A : f32 to vector<16xf32>
    %scan3A = arith.constant 0 : i32
    %scan3A_2 = arith.constant 0 : i32
    %scan3A_3 = arith.constant 4 : i32
    %scan3A_4 = arith.addi %scan3A_2, %scan3A_3 : i32
    %scan3A_5 = arith.constant 1 : i32
    scf.for %scan3A_7 = %scan3A_2 to %scan3A_4 step %scan3A_5  : i32 {
      %mul3A_8 = arith.constant 4 : i32
      %mul3A_9 = arith.muli %add3A, %mul3A_8 : i32
      %add3A_10 = arith.addi %mul3A_9, %scan3A_7 : i32
      %mul3A_11 = arith.constant 128 : i32
      %mul3A_12 = arith.muli %add3A_10, %mul3A_11 : i32
      "tpu.region"() ({
        %run_scoped3A = tpu.sem_alloc : memref<!tpu.dma_semaphore, #tpu.memory_space<semaphore_mem>>
        %dma_start3A = arith.constant 0 : i32
        %dma_start3A_37 = tpu.memref_slice %arg2[%add3A_10, %dma_start3A] : memref<128x25600xi32, #tpu.memory_space<hbm>> -> memref<1x25600xi32, #tpu.memory_space<hbm>>
        %dma_start3A_38 = tpu.memref_squeeze %dma_start3A_37 : memref<1x25600xi32, #tpu.memory_space<hbm>> -> memref<25600xi32, #tpu.memory_space<hbm>>
        %dma_start3A_39 = arith.constant 0 : i32
        %dma_start3A_40 = tpu.memref_slice %arg2[%add3A_10, %dma_start3A_39] : memref<128x25600xi32, #tpu.memory_space<hbm>> -> memref<1x25600xi32, #tpu.memory_space<hbm>>
        %dma_start3A_41 = tpu.memref_squeeze %dma_start3A_40 : memref<1x25600xi32, #tpu.memory_space<hbm>> -> memref<25600xi32, #tpu.memory_space<hbm>>
        tpu.enqueue_dma source(%dma_start3A_41 : memref<25600xi32, #tpu.memory_space<hbm>>) target(%arg5 : memref<25600xi32, #tpu.memory_space<vmem>>) target_semaphore(%run_scoped3A : memref<!tpu.dma_semaphore, #tpu.memory_space<semaphore_mem>>)
        %dma_wait3A = arith.constant 0 : i32
        %dma_wait3A_42 = tpu.memref_slice %arg2[%add3A_10, %dma_wait3A] : memref<128x25600xi32, #tpu.memory_space<hbm>> -> memref<1x25600xi32, #tpu.memory_space<hbm>>
        %dma_wait3A_43 = tpu.memref_squeeze %dma_wait3A_42 : memref<1x25600xi32, #tpu.memory_space<hbm>> -> memref<25600xi32, #tpu.memory_space<hbm>>
        %dma_wait3A_44 = arith.constant 0 : i32
        %dma_wait3A_45 = tpu.memref_slice %arg2[%add3A_10, %dma_wait3A_44] : memref<128x25600xi32, #tpu.memory_space<hbm>> -> memref<1x25600xi32, #tpu.memory_space<hbm>>
        %dma_wait3A_46 = tpu.memref_squeeze %dma_wait3A_45 : memref<1x25600xi32, #tpu.memory_space<hbm>> -> memref<25600xi32, #tpu.memory_space<hbm>>
        tpu.wait_dma2 semaphore(%run_scoped3A : memref<!tpu.dma_semaphore, #tpu.memory_space<semaphore_mem>>) src(%dma_wait3A_46 : memref<25600xi32, #tpu.memory_space<hbm>>) dst(%arg5 : memref<25600xi32, #tpu.memory_space<vmem>>)
        tpu.yield
      }) : () -> ()
      %scan3A_13 = arith.constant 0 : i32
      %scan3A_14 = arith.constant 0 : i32
      %scan3A_15 = arith.constant 1024 : i32
      %scan3A_16 = arith.addi %scan3A_14, %scan3A_15 : i32
      %scan3A_17 = arith.constant 1 : i32
      scf.for %scan3A_37 = %scan3A_14 to %scan3A_16 step %scan3A_17  : i32 {
        %swap3A = arith.index_cast %scan3A_37 : i32 to index
        %swap3A_38 = arith.constant 0 : index
        %swap3A_39 = tpu.vector_load %arg6[%swap3A, %swap3A_38] {strides = array<i32>} : memref<1024x32xf32, #tpu.memory_space<vmem>>, vector<1x16xf32>,
        %swap3A_40 = vector.shape_cast %swap3A_39 : vector<1x16xf32> to vector<16xf32>
        %swap3A_41 = vector.shape_cast %broadcast_in_dim3A_1 : vector<16xf32> to vector<1x16xf32>
        tpu.vector_store %arg6[%swap3A, %swap3A_38], %swap3A_41 {strides = array<i32>} : memref<1024x32xf32, #tpu.memory_space<vmem>>, vector<1x16xf32>,
        %swap3A_42 = arith.index_cast %scan3A_37 : i32 to index
        %swap3A_43 = arith.constant 16 : index
        %swap3A_44 = tpu.vector_load %arg6[%swap3A_42, %swap3A_43] {strides = array<i32>} : memref<1024x32xf32, #tpu.memory_space<vmem>>, vector<1x16xf32>,
        %swap3A_45 = vector.shape_cast %swap3A_44 : vector<1x16xf32> to vector<16xf32>
        %swap3A_46 = vector.shape_cast %broadcast_in_dim3A_1 : vector<16xf32> to vector<1x16xf32>
        tpu.vector_store %arg6[%swap3A_42, %swap3A_43], %swap3A_46 {strides = array<i32>} : memref<1024x32xf32, #tpu.memory_space<vmem>>, vector<1x16xf32>,
      }
      %scan3A_18 = arith.constant 1024 : i32
      %scan3A_19 = arith.constant 0 : i32
      %scan3A_20 = arith.constant 0 : i32
      %scan3A_21 = arith.constant 25 : i32
      %scan3A_22 = arith.addi %scan3A_20, %scan3A_21 : i32
      %scan3A_23 = arith.constant 1 : i32
      scf.for %scan3A_37 = %scan3A_20 to %scan3A_22 step %scan3A_23  : i32 {
        %mul3A_38 = arith.constant 1024 : i32
        %mul3A_39 = arith.muli %scan3A_37, %mul3A_38 : i32
        %dma_start3A = tpu.memref_slice %arg5[%mul3A_39] : memref<25600xi32, #tpu.memory_space<vmem>> -> memref<1024xi32, #tpu.memory_space<vmem>>
        %dma_start3A_40 = arith.constant 0 : i32
        %dma_start3A_41 = arith.constant 0 : i32
        %dma_start3A_42 = tpu.memref_slice %arg3[%dma_start3A_40, %dma_start3A_41] : memref<1000000x32xf32, #tpu.memory_space<hbm>> -> memref<1000000x32xf32, #tpu.memory_space<hbm>>
        tpu.enqueue_indirect_dma source(%dma_start3A_42 : memref<1000000x32xf32, #tpu.memory_space<hbm>>) target(%arg6 : memref<1024x32xf32, #tpu.memory_space<vmem>>) offsets(%dma_start3A : memref<1024xi32, #tpu.memory_space<vmem>>) semaphore(%arg8 : memref<!tpu.dma_semaphore, #tpu.memory_space<semaphore_mem>>) {add = true}
      }
      %scan3A_24 = arith.constant 25 : i32
      %scan3A_25 = arith.constant 0 : i32
      %scan3A_26 = arith.constant 0 : i32
      %scan3A_27 = arith.constant 25 : i32
      %scan3A_28 = arith.addi %scan3A_26, %scan3A_27 : i32
      %scan3A_29 = arith.constant 1 : i32
      scf.for %scan3A_37 = %scan3A_26 to %scan3A_28 step %scan3A_29  : i32 {
        %dma_wait3A = arith.constant 0 : i32
        %dma_wait3A_38 = tpu.memref_slice %arg5[%dma_wait3A] : memref<25600xi32, #tpu.memory_space<vmem>> -> memref<1024xi32, #tpu.memory_space<vmem>>
        %dma_wait3A_39 = arith.constant 0 : i32
        %dma_wait3A_40 = arith.constant 0 : i32
        %dma_wait3A_41 = tpu.memref_slice %arg3[%dma_wait3A_39, %dma_wait3A_40] : memref<1000000x32xf32, #tpu.memory_space<hbm>> -> memref<1000000x32xf32, #tpu.memory_space<hbm>>
        tpu.wait_indirect_dma semaphore(%arg8 : memref<!tpu.dma_semaphore, #tpu.memory_space<semaphore_mem>>) src(%dma_wait3A_41 : memref<1000000x32xf32, #tpu.memory_space<hbm>>) dst(%arg6 : memref<1024x32xf32, #tpu.memory_space<vmem>>)
      }
      %scan3A_30 = arith.constant 25 : i32
      %scan3A_31 = arith.constant 0 : i32
      %scan3A_32 = arith.constant 0 : i32
      %scan3A_33 = arith.constant 128 : i32
      %scan3A_34 = arith.addi %scan3A_32, %scan3A_33 : i32
      %scan3A_35 = arith.constant 1 : i32
      scf.for %scan3A_37 = %scan3A_32 to %scan3A_34 step %scan3A_35  : i32 {
        %get3A = arith.index_cast %scan3A_37 : i32 to index
        %get3A_38 = arith.constant 0 : index
        %get3A_39 = tpu.vector_load %arg6[%get3A, %get3A_38] {strides = array<i32>} : memref<1024x32xf32, #tpu.memory_space<vmem>>, vector<1x16xf32>,
        %get3A_40 = vector.shape_cast %get3A_39 : vector<1x16xf32> to vector<16xf32>
        %add3A_41 = arith.constant 128 : i32
        %add3A_42 = arith.addi %add3A_41, %scan3A_37 : i32
        %get3A_43 = arith.index_cast %add3A_42 : i32 to index
        %get3A_44 = arith.constant 0 : index
        %get3A_45 = tpu.vector_load %arg6[%get3A_43, %get3A_44] {strides = array<i32>} : memref<1024x32xf32, #tpu.memory_space<vmem>>, vector<1x16xf32>,
        %get3A_46 = vector.shape_cast %get3A_45 : vector<1x16xf32> to vector<16xf32>
        %add3A_47 = arith.addf %get3A_40, %get3A_46 : vector<16xf32>
        %add3A_48 = arith.constant 256 : i32
        %add3A_49 = arith.addi %add3A_48, %scan3A_37 : i32
        %get3A_50 = arith.index_cast %add3A_49 : i32 to index
        %get3A_51 = arith.constant 0 : index
        %get3A_52 = tpu.vector_load %arg6[%get3A_50, %get3A_51] {strides = array<i32>} : memref<1024x32xf32, #tpu.memory_space<vmem>>, vector<1x16xf32>,
        %get3A_53 = vector.shape_cast %get3A_52 : vector<1x16xf32> to vector<16xf32>
        %add3A_54 = arith.addf %add3A_47, %get3A_53 : vector<16xf32>
        %add3A_55 = arith.constant 384 : i32
        %add3A_56 = arith.addi %add3A_55, %scan3A_37 : i32
        %get3A_57 = arith.index_cast %add3A_56 : i32 to index
        %get3A_58 = arith.constant 0 : index
        %get3A_59 = tpu.vector_load %arg6[%get3A_57, %get3A_58] {strides = array<i32>} : memref<1024x32xf32, #tpu.memory_space<vmem>>, vector<1x16xf32>,
        %get3A_60 = vector.shape_cast %get3A_59 : vector<1x16xf32> to vector<16xf32>
        %add3A_61 = arith.addf %add3A_54, %get3A_60 : vector<16xf32>
        %add3A_62 = arith.constant 512 : i32
        %add3A_63 = arith.addi %add3A_62, %scan3A_37 : i32
        %get3A_64 = arith.index_cast %add3A_63 : i32 to index
        %get3A_65 = arith.constant 0 : index
        %get3A_66 = tpu.vector_load %arg6[%get3A_64, %get3A_65] {strides = array<i32>} : memref<1024x32xf32, #tpu.memory_space<vmem>>, vector<1x16xf32>,
        %get3A_67 = vector.shape_cast %get3A_66 : vector<1x16xf32> to vector<16xf32>
        %add3A_68 = arith.addf %add3A_61, %get3A_67 : vector<16xf32>
        %add3A_69 = arith.constant 640 : i32
        %add3A_70 = arith.addi %add3A_69, %scan3A_37 : i32
        %get3A_71 = arith.index_cast %add3A_70 : i32 to index
        %get3A_72 = arith.constant 0 : index
        %get3A_73 = tpu.vector_load %arg6[%get3A_71, %get3A_72] {strides = array<i32>} : memref<1024x32xf32, #tpu.memory_space<vmem>>, vector<1x16xf32>,
        %get3A_74 = vector.shape_cast %get3A_73 : vector<1x16xf32> to vector<16xf32>
        %add3A_75 = arith.addf %add3A_68, %get3A_74 : vector<16xf32>
        %add3A_76 = arith.constant 768 : i32
        %add3A_77 = arith.addi %add3A_76, %scan3A_37 : i32
        %get3A_78 = arith.index_cast %add3A_77 : i32 to index
        %get3A_79 = arith.constant 0 : index
        %get3A_80 = tpu.vector_load %arg6[%get3A_78, %get3A_79] {strides = array<i32>} : memref<1024x32xf32, #tpu.memory_space<vmem>>, vector<1x16xf32>,
        %get3A_81 = vector.shape_cast %get3A_80 : vector<1x16xf32> to vector<16xf32>
        %add3A_82 = arith.addf %add3A_75, %get3A_81 : vector<16xf32>
        %add3A_83 = arith.constant 896 : i32
        %add3A_84 = arith.addi %add3A_83, %scan3A_37 : i32
        %get3A_85 = arith.index_cast %add3A_84 : i32 to index
        %get3A_86 = arith.constant 0 : index
        %get3A_87 = tpu.vector_load %arg6[%get3A_85, %get3A_86] {strides = array<i32>} : memref<1024x32xf32, #tpu.memory_space<vmem>>, vector<1x16xf32>,
        %get3A_88 = vector.shape_cast %get3A_87 : vector<1x16xf32> to vector<16xf32>
        %add3A_89 = arith.addf %add3A_82, %get3A_88 : vector<16xf32>
        %swap3A = arith.index_cast %scan3A_37 : i32 to index
        %swap3A_90 = arith.constant 0 : index
        %swap3A_91 = tpu.vector_load %arg7[%swap3A, %swap3A_90] {strides = array<i32>} : memref<128x32xf32, #tpu.memory_space<vmem>>, vector<1x16xf32>,
        %swap3A_92 = vector.shape_cast %swap3A_91 : vector<1x16xf32> to vector<16xf32>
        %swap3A_93 = vector.shape_cast %add3A_89 : vector<16xf32> to vector<1x16xf32>
        tpu.vector_store %arg7[%swap3A, %swap3A_90], %swap3A_93 {strides = array<i32>} : memref<128x32xf32, #tpu.memory_space<vmem>>, vector<1x16xf32>,
        %get3A_94 = arith.index_cast %scan3A_37 : i32 to index
        %get3A_95 = arith.constant 16 : index
        %get3A_96 = tpu.vector_load %arg6[%get3A_94, %get3A_95] {strides = array<i32>} : memref<1024x32xf32, #tpu.memory_space<vmem>>, vector<1x16xf32>,
        %get3A_97 = vector.shape_cast %get3A_96 : vector<1x16xf32> to vector<16xf32>
        %add3A_98 = arith.constant 128 : i32
        %add3A_99 = arith.addi %add3A_98, %scan3A_37 : i32
        %get3A_100 = arith.index_cast %add3A_99 : i32 to index
        %get3A_101 = arith.constant 16 : index
        %get3A_102 = tpu.vector_load %arg6[%get3A_100, %get3A_101] {strides = array<i32>} : memref<1024x32xf32, #tpu.memory_space<vmem>>, vector<1x16xf32>,
        %get3A_103 = vector.shape_cast %get3A_102 : vector<1x16xf32> to vector<16xf32>
        %add3A_104 = arith.addf %get3A_97, %get3A_103 : vector<16xf32>
        %add3A_105 = arith.constant 256 : i32
        %add3A_106 = arith.addi %add3A_105, %scan3A_37 : i32
        %get3A_107 = arith.index_cast %add3A_106 : i32 to index
        %get3A_108 = arith.constant 16 : index
        %get3A_109 = tpu.vector_load %arg6[%get3A_107, %get3A_108] {strides = array<i32>} : memref<1024x32xf32, #tpu.memory_space<vmem>>, vector<1x16xf32>,
        %get3A_110 = vector.shape_cast %get3A_109 : vector<1x16xf32> to vector<16xf32>
        %add3A_111 = arith.addf %add3A_104, %get3A_110 : vector<16xf32>
        %add3A_112 = arith.constant 384 : i32
        %add3A_113 = arith.addi %add3A_112, %scan3A_37 : i32
        %get3A_114 = arith.index_cast %add3A_113 : i32 to index
        %get3A_115 = arith.constant 16 : index
        %get3A_116 = tpu.vector_load %arg6[%get3A_114, %get3A_115] {strides = array<i32>} : memref<1024x32xf32, #tpu.memory_space<vmem>>, vector<1x16xf32>,
        %get3A_117 = vector.shape_cast %get3A_116 : vector<1x16xf32> to vector<16xf32>
        %add3A_118 = arith.addf %add3A_111, %get3A_117 : vector<16xf32>
        %add3A_119 = arith.constant 512 : i32
        %add3A_120 = arith.addi %add3A_119, %scan3A_37 : i32
        %get3A_121 = arith.index_cast %add3A_120 : i32 to index
        %get3A_122 = arith.constant 16 : index
        %get3A_123 = tpu.vector_load %arg6[%get3A_121, %get3A_122] {strides = array<i32>} : memref<1024x32xf32, #tpu.memory_space<vmem>>, vector<1x16xf32>,
        %get3A_124 = vector.shape_cast %get3A_123 : vector<1x16xf32> to vector<16xf32>
        %add3A_125 = arith.addf %add3A_118, %get3A_124 : vector<16xf32>
        %add3A_126 = arith.constant 640 : i32
        %add3A_127 = arith.addi %add3A_126, %scan3A_37 : i32
        %get3A_128 = arith.index_cast %add3A_127 : i32 to index
        %get3A_129 = arith.constant 16 : index
        %get3A_130 = tpu.vector_load %arg6[%get3A_128, %get3A_129] {strides = array<i32>} : memref<1024x32xf32, #tpu.memory_space<vmem>>, vector<1x16xf32>,
        %get3A_131 = vector.shape_cast %get3A_130 : vector<1x16xf32> to vector<16xf32>
        %add3A_132 = arith.addf %add3A_125, %get3A_131 : vector<16xf32>
        %add3A_133 = arith.constant 768 : i32
        %add3A_134 = arith.addi %add3A_133, %scan3A_37 : i32
        %get3A_135 = arith.index_cast %add3A_134 : i32 to index
        %get3A_136 = arith.constant 16 : index
        %get3A_137 = tpu.vector_load %arg6[%get3A_135, %get3A_136] {strides = array<i32>} : memref<1024x32xf32, #tpu.memory_space<vmem>>, vector<1x16xf32>,
        %get3A_138 = vector.shape_cast %get3A_137 : vector<1x16xf32> to vector<16xf32>
        %add3A_139 = arith.addf %add3A_132, %get3A_138 : vector<16xf32>
        %add3A_140 = arith.constant 896 : i32
        %add3A_141 = arith.addi %add3A_140, %scan3A_37 : i32
        %get3A_142 = arith.index_cast %add3A_141 : i32 to index
        %get3A_143 = arith.constant 16 : index
        %get3A_144 = tpu.vector_load %arg6[%get3A_142, %get3A_143] {strides = array<i32>} : memref<1024x32xf32, #tpu.memory_space<vmem>>, vector<1x16xf32>,
        %get3A_145 = vector.shape_cast %get3A_144 : vector<1x16xf32> to vector<16xf32>
        %add3A_146 = arith.addf %add3A_139, %get3A_145 : vector<16xf32>
        %swap3A_147 = arith.index_cast %scan3A_37 : i32 to index
        %swap3A_148 = arith.constant 16 : index
        %swap3A_149 = tpu.vector_load %arg7[%swap3A_147, %swap3A_148] {strides = array<i32>} : memref<128x32xf32, #tpu.memory_space<vmem>>, vector<1x16xf32>,
        %swap3A_150 = vector.shape_cast %swap3A_149 : vector<1x16xf32> to vector<16xf32>
        %swap3A_151 = vector.shape_cast %add3A_146 : vector<16xf32> to vector<1x16xf32>
        tpu.vector_store %arg7[%swap3A_147, %swap3A_148], %swap3A_151 {strides = array<i32>} : memref<128x32xf32, #tpu.memory_space<vmem>>, vector<1x16xf32>,
      }
      %scan3A_36 = arith.constant 128 : i32
      "tpu.region"() ({
        %run_scoped3A = tpu.sem_alloc : memref<!tpu.dma_semaphore, #tpu.memory_space<semaphore_mem>>
        %dma_start3A = arith.constant 0 : i32
        %dma_start3A_37 = tpu.memref_slice %arg4[%mul3A_12, %dma_start3A] : memref<16384x32xf32, #tpu.memory_space<hbm>> -> memref<128x32xf32, #tpu.memory_space<hbm>>
        %dma_start3A_38 = arith.constant 0 : i32
        %dma_start3A_39 = tpu.memref_slice %arg4[%mul3A_12, %dma_start3A_38] : memref<16384x32xf32, #tpu.memory_space<hbm>> -> memref<128x32xf32, #tpu.memory_space<hbm>>
        tpu.enqueue_dma source(%arg7 : memref<128x32xf32, #tpu.memory_space<vmem>>) target(%dma_start3A_39 : memref<128x32xf32, #tpu.memory_space<hbm>>) target_semaphore(%run_scoped3A : memref<!tpu.dma_semaphore, #tpu.memory_space<semaphore_mem>>)
        %dma_wait3A = arith.constant 0 : i32
        %dma_wait3A_40 = tpu.memref_slice %arg4[%mul3A_12, %dma_wait3A] : memref<16384x32xf32, #tpu.memory_space<hbm>> -> memref<128x32xf32, #tpu.memory_space<hbm>>
        %dma_wait3A_41 = arith.constant 0 : i32
        %dma_wait3A_42 = tpu.memref_slice %arg4[%mul3A_12, %dma_wait3A_41] : memref<16384x32xf32, #tpu.memory_space<hbm>> -> memref<128x32xf32, #tpu.memory_space<hbm>>
        tpu.wait_dma2 semaphore(%run_scoped3A : memref<!tpu.dma_semaphore, #tpu.memory_space<semaphore_mem>>) src(%arg7 : memref<128x32xf32, #tpu.memory_space<vmem>>) dst(%dma_wait3A_42 : memref<128x32xf32, #tpu.memory_space<hbm>>)
        tpu.yield
      }) : () -> ()
    }
    %scan3A_6 = arith.constant 4 : i32
    return
  }
}

</mosaic_0001>

<sc_bundles>
// kernel: kernel.3.cloned.1.call-start
scs
__scs_entry_jumppad:
0x0: {  	(pc) =	sbr.rel $0x88, $3  }
0x1: {  	(tag) =	ssettag $0x0;
	lr =	simm.s32 $0x1  }
0x2: {  	[smem:$0x3F9F] =	sst lr;
	_ =	strace $0xD0000000  }
0x3: {  	_ = 	snop  }
0x4: {  	_ = 	snop  }
0x5: {  	_ = 	snop  }
0x6: {  	_ = 	snop  }
0x7: {  	_ = 	snop  }
__scs_overlays_trampoline_lowered:
0x8: {  	[smem:$0x3FAE] =	sst s0  }
0x9: {  	[smem:$0x3FAF] =	sst s1  }
0xa: {  	[smem:$0x3FB0] =	sst s2  }
0xb: {  	[smem:$0x3FB1] =	sst s3  }
0xc: {  	[smem:$0x3FB2] =	sst s4  }
0xd: {  	[smem:$0x3FB3] =	sst s5  }
0xe: {  	[smem:$0x3FB4] =	sst s6  }
0xf: {  	[smem:$0x3FB5] =	sst s7  }
0x10: {  	[smem:$0x3FB6] =	sst s8  }
0x11: {  	[smem:$0x3FB7] =	sst s9;
	s0 =	simm.s32 @!p0 $0x0  }
0x12: {  	s1 =	sld [smem:$0x3F9D];
	s0 =	simm.s32 @p0 $0x1  }
0x13: {  	[smem:$0x3FB8] =	sst s0;
	s0 =	simm.s32 @!p1 $0x0  }
0x14: {  	s2 =	sld [smem:$0x3F9C];
	s0 =	simm.s32 @p1 $0x1  }
0x15: {  	[smem:$0x3FB9] =	sst s0;
	s0 =	simm.s32 @!p2 $0x0  }
0x16: {  	s3 =	sld [smem:$0x3FDB];
	s0 =	simm.s32 @p2 $0x1  }
0x17: {  	s4 =	simm.s32 $0x1BF5;
	[smem:$0x3FBB] =	sst s0  }
0x18: {  	s0 =	sld [smem:$0x3F9E];
	_ =	swait.ge [sflag:s4], $0x0  }
0x19: {  	s7 =	sld [smem:$0x3F9F]  }
0x1a: {  	s8 =	sadd.s32 $0xFFFFE003, lr  }
0x1b: {  	s9 =	sadd.s32 $0xFFFFFEF7, lr;
	s5 =	simm.s32 $0xFFFFFFFF;
	p2 =	slt.u32 s8, $0xFFFFF086  }
0x1c: {  	p1 =	slt.u32 s9, $0xF7A;
	s5 =	simm.s32 @!p2 $0x0  }
0x1d: {  	s5 =	simm.s32 @p1 $0x1;
	p0 =	seq.s32 s7, s2  }
0x1e: {  	s7 =	smul.u32 @!p0 $0xF7A, s2;
	p2 =	seq.s32 @!p0 s5, $0x0  }
0x1f: {  	s9 =	smul.u32 $0xF7A, s1;
	s8 =	simm.s32 @!p0 $0x1BF5;
	p2 =	por !p2, p0  }
0x20: {  	[sflag:s8] =	ssyncset.s32 @!p0 $0xFFFFF086;
	s6 =	sadd.s32 @!p0 s3, s7;
	s7 =	simm.s32 @!p0 $0x108  }
0x21: {  	s3 =	sadd.s32 s3, s9;
	s6 =	sadd.s32 @!p0 $0x88, s6;
	s7 =	simm.s32 @p2 $0x1082  }
0x22: {  	[simem:s7], [sflag:s8] =	dma.local @!p0 [hbm:s6], $0xF7A  }
0x23: {  	s9 =	sor.u32 $0xD0000000, s2;
	s6 =	simm.s32 $0x108;
	_ =	swait.ge @!p0 [sflag:s8], $0x0  }
0x24: {  	s3 =	sadd.s32 $0x88, s3;
	s6 =	simm.s32 @!p1 $0x1082;
	[sflag:s4] =	ssyncset.s32 $0xFFFFF086  }
0x25: {  	[simem:s6], [sflag:s4] =	dma.local [hbm:s3], $0xF7A  }
0x26: {  	[smem:$0x3F9F] =	sst s1;
	(tag) =	ssettag s2;
	_ =	strace s9  }
0x27: {  	s1 =	sld [smem:$0x3FAF]  }
0x28: {  	s2 =	sld [smem:$0x3FB0]  }
0x29: {  	s4 =	sld [smem:$0x3FB2]  }
0x2a: {  	p0 =	seq.s32 s5, $0x0;
	s5 =	sld [smem:$0x3FB3]  }
0x2b: {  	s6 =	sld [smem:$0x3FB4]  }
0x2c: {  	s7 =	sld [smem:$0x3FB5]  }
0x2d: {  	s3 =	simm.s32 $0x108;
	s8 =	sld [smem:$0x3FB6]  }
0x2e: {  	s3 =	simm.s32 @!p0 $0x1082;
	s9 =	sld [smem:$0x3FB7]  }
0x2f: {  	lr =	sadd.s32 s0, s3;
	s0 =	sld [smem:$0x3FAE]  }
0x30: {  	s3 =	sld [smem:$0x3FB1]  }
0x31: {  	[smem:$0x3FBA] =	sst s10  }
0x32: {  	s10 =	sld [smem:$0x3FB8];
	_ =	sdelay $0x3  }
0x33: {  	p0 =	seq.s32 s10, $0x1;
	s10 =	sld [smem:$0x3FBA];
	_ =	sdelay $0x3  }
0x34: {  	[smem:$0x3FBA] =	sst s10  }
0x35: {  	s10 =	sld [smem:$0x3FB9];
	_ =	sdelay $0x3  }
0x36: {  	p1 =	seq.s32 s10, $0x1;
	s10 =	sld [smem:$0x3FBA];
	_ =	sdelay $0x3  }
0x37: {  	[smem:$0x3FBA] =	sst s10  }
0x38: {  	s10 =	sld [smem:$0x3FBB]  }
0x39: {  	_ = 	snop;
	(pc) =	sbr.ind lr, $3  }
0x3a: {  	_ = 	snop  }
0x3b: {  	_ = 	snop  }
0x3c: {  	p2 =	seq.s32 s10, $0x1;
	s10 =	sld [smem:$0x3FBA]  }
0x3d: {  	_ =	shalt  }
0x3e: {  	_ =	shalt  }
0x3f: {  	_ =	shalt  }
0x40: {  	_ =	shalt  }
0x41: {  	_ =	shalt  }
0x42: {  	_ =	shalt  }
0x43: {  	_ =	shalt  }
0x44: {  	_ =	shalt  }
0x45: {  	_ =	shalt  }
0x46: {  	_ =	shalt  }
0x47: {  	_ =	shalt  }
0x48: {  	_ =	shalt  }
0x49: {  	_ =	shalt  }
0x4a: {  	_ =	shalt  }
0x4b: {  	_ =	shalt  }
0x4c: {  	_ =	shalt  }
0x4d: {  	_ =	shalt  }
0x4e: {  	_ =	shalt  }
0x4f: {  	_ =	shalt  }
0x50: {  	_ =	shalt  }
0x51: {  	_ =	shalt  }
0x52: {  	_ =	shalt  }
0x53: {  	_ =	shalt  }
0x54: {  	_ =	shalt  }
0x55: {  	_ =	shalt  }
0x56: {  	_ =	shalt  }
0x57: {  	_ =	shalt  }
0x58: {  	_ =	shalt  }
0x59: {  	_ =	shalt  }
0x5a: {  	_ =	shalt  }
0x5b: {  	_ =	shalt  }
0x5c: {  	_ =	shalt  }
0x5d: {  	_ =	shalt  }
0x5e: {  	_ =	shalt  }
0x5f: {  	_ =	shalt  }
0x60: {  	_ =	shalt  }
0x61: {  	_ =	shalt  }
0x62: {  	_ =	shalt  }
0x63: {  	_ =	shalt  }
0x64: {  	_ =	shalt  }
0x65: {  	_ =	shalt  }
0x66: {  	_ =	shalt  }
0x67: {  	_ =	shalt  }
0x68: {  	_ =	shalt  }
0x69: {  	_ =	shalt  }
0x6a: {  	_ =	shalt  }
0x6b: {  	_ =	shalt  }
0x6c: {  	_ =	shalt  }
0x6d: {  	_ =	shalt  }
0x6e: {  	_ =	shalt  }
0x6f: {  	_ =	shalt  }
0x70: {  	_ =	shalt  }
0x71: {  	_ =	shalt  }
0x72: {  	_ =	shalt  }
0x73: {  	_ =	shalt  }
0x74: {  	_ =	shalt  }
0x75: {  	_ =	shalt  }
0x76: {  	_ =	shalt  }
0x77: {  	_ =	shalt  }
0x78: {  	_ =	shalt  }
0x79: {  	_ =	shalt  }
0x7a: {  	_ =	shalt  }
0x7b: {  	_ =	shalt  }
0x7c: {  	_ =	shalt  }
0x7d: {  	_ =	shalt  }
0x7e: {  	_ =	shalt  }
0x7f: {  	_ =	shalt  }
0x80: {  	_ =	shalt  }
0x81: {  	_ =	shalt  }
0x82: {  	_ =	shalt  }
0x83: {  	_ =	shalt  }
0x84: {  	_ =	shalt  }
0x85: {  	_ =	shalt  }
0x86: {  	_ =	shalt  }
0x87: {  	_ =	shalt  }
.Lfunc_end0:
.L_simem_size_0:
called_computation_lowered:
.L_overlay_start_0:
0x88: {  	s2 =	sld [smem:$0x3FD9]  }
0x89: {  	s3 =	sld [smem:$0x3FFE];
	_ =	sdelay $0x1  }
0x8a: {  	s1 =	srdreg.scid  }
0x8b: {  	s0 =	sand.u32 $0x1, s1  }
0x8c: {  	s17 =	sshll.u32 s0, $0xA;
	s2 =	sadd.s32 s3, s2  }
0x8d: {  	s2 =	sadd.s32 s2, s17  }
0x8e: {  	[smem:$0x3FC6] =	sst s2  }
0x8f: {  	_ = 	snop  }
0x90: {  	s2 =	sld [smem:$0x3FD0];
	(tm) =	ssettm $0x1  }
0x91: {  	s18 =	sld [smem:$0x3FFB];
	_ =	sdelay $0x3  }
0x92: {  	_ =	strace s18  }
0x93: {  	s3 =	sld [smem:$0x3FFC];
	_ =	sdelay $0x3  }
0x94: {  	_ =	strace s3  }
0x95: {  	s3 =	sld [smem:$0x3FFD];
	_ =	sdelay $0x3  }
0x96: {  	_ =	strace s3  }
0x97: {  	_ =	strace $0x8FFFFFFF  }
0x98: {  	s19 =	sld [smem:$0x3FDB];
	_ =	sdelay $0x1  }
0x99: {  	s4 =	simm.s32 $_scs_section_size  }
0x9a: {  	s5 =	simm.s32 $_size__tile_overlayer_lowered;
	s6 =	simm.s32 $_tile_overlayer_lowered  }
0x9b: {  	s22 =	simm.s32 $0x1BFF;
	s21 =	sshll.u32 s6, $0x1;
	s3 =	sadd.s32 s4, s19  }
0x9c: {  	s7 =	simm.s32 $0x0;
	s20 =	sshll.u32 s5, $0x1;
	s5 =	sadd.s32 s21, s3  }
0x9d: {  	[timem:s7], [sflag:s22] =	dma.local [hbm:s5], s20  }
0x9e: {  	_ =	swait.ge [sflag:s22], s20  }
0x9f: {  	s4 =	ssub.s32 $0x0, s20;
	[sflag:s22] =	ssyncset.done $0x0  }
0xa0: {  	[sflag:s22] =	ssyncadd.s32 s4;
	_ =	sdelay $0x1  }
0xa1: {  	s23 =	simm.s32 $0x1B8B  }
0xa2: {  	_ =	swait.ge [sflag:s23], $0x1  }
0xa3: {  	[sflag:s23] =	ssyncset.done $0x0  }
0xa4: {  	s25 =	simm.s32 $0x1B8E;
	s24 =	sld [smem:$0x3FFE];
	[sflag:s23] =	ssyncadd.s32 $0xFFFFFFFF  }
0xa5: {  	s26 =	simm.s32 $execute0_lowered;
	[smem:$0x3FD2] =	sst s25  }
0xa6: {  	s5 =	sshll.u32 s26, $0x1;
	_ =	strace $0x80000046;
	[dreg:$0x1] =	wrdreg $0xFFFFFFFF  }
0xa7: {  	s28 =	simm.s32 $_size_execute0_lowered;
	s3 =	sadd.s32 s3, s5;
	[dreg:$0x0] =	wrdreg $0x0  }
0xa8: {  	s5 =	sshll.u32 s28, $0x1;
	[dreg:$0x2] =	wrdreg s3  }
0xa9: {  	[dreg:$0x3] =	wrdreg s5  }
0xaa: {  	[dreg:$0x4] =	wrdreg $0xC0  }
0xab: {  	_ =	task [dreg:s7], $0x5FFFF  }
0xac: {  	[dreg:$0x1] =	wrdreg $0xFFFFFFFF  }
0xad: {  	[dreg:$0x0] =	wrdreg $0x60  }
0xae: {  	[dreg:$0x2] =	wrdreg s24  }
0xaf: {  	[dreg:$0x3] =	wrdreg s2  }
0xb0: {  	[dreg:$0x4] =	wrdreg $0x9  }
0xb1: {  	_ =	task.clear_ibuf [dreg:s7], $0x5FFFF;
	_ =	strace $0x90000046  }
0xb2: {  	s29 =	simm.s32 $0x9;
	_ =	strace $0x80000048  }
0xb3: {  	_ =	swait.ge [sflag:s29], $0x1  }
0xb4: {  	[sflag:s29] =	ssyncadd.s32 $0xFFFFFFFF  }
0xb5: {  	_ =	strace $0x90000048  }
0xb6: {  	_ =	sfence  }
0xb7: {  	s30 =	sld [smem:$0x0];
	_ =	sdelay $0x2  }
0xb8: {  	s31 =	sshll.u32 s1, $0xD;
	s1 =	sshrl.u32 s1, $0x2  }
0xb9: {  	s3 =	sand.u32 $0x4000, s31;
	s1 =	sadd.s32 s1, s30  }
0xba: {  	s0 =	sor.u32 s3, s0;
	s1 =	sshll.u32 s1, $0x11  }
0xbb: {  	s0 =	sor.u32 s1, s0  }
0xbc: {  	s0 =	sadd.s32 $0x8F2B, s0  }
0xbd: {  	[sflag:s0] =	ssyncadd.remote.s32 $0x1  }
0xbe: {  	_ =	sfence.sel $0xFFFF  }
0xbf: {  	[dreg:$0x0] =	wrdreg $0xFFFFFFFF;
	(pc) =	sbr.abs _section_cstart, $3  }
0xc0: {  	[dreg:$0x1] =	wrdreg $0xFFFFFFFF  }
0xc1: {  	_ =	task.clear_ibuf [dreg:s7], $0x2FFFF;
	_ =	strace $0x9FFFFFFF  }
0xc2: {  	(tm) =	ssettm $0x7FFFFFFF  }
0xc3: {  	_ =	shalt  }
tec
execute0_lowered:
.L_overlay_start_1:
0x0: {  	(tag) =	ssettag $0x1  }
0x1: {  	s0 =	rddreg [dreg:$0x0];
	s1 =	simm.s32 $0x0  }
0x2: {  	s25 =	srdreg.scid;
	s5 =	stileid.u32;
	s8 =	simm.s32 $0x2  }
0x3: {  	s9 =	simm.s32 $0x400;
	s10 =	simm.s32 $0x6400;
	s16 =	simm.s32 $0x1C00  }
0x4: {  	s17 =	simm.s32 $0x2000;
	s18 =	simm.s32 $0x2400;
	s19 =	simm.s32 $0x2800  }
0x5: {  	s20 =	simm.s32 $0x2C00;
	s21 =	simm.s32 $0x3000;
	s22 =	simm.s32 $0x3400  }
0x6: {  	s23 =	simm.s32 $0x3800;
	s24 =	simm.s32 $0x3C00;
	s28 =	simm.s32 $0x4800  }
0x7: {  	s29 =	simm.s32 $0x4C00;
	s30 =	simm.s32 $0x5000;
	s31 =	simm.s32 $0x5400  }
0x8: {  	s7 =	simm.s32 $0x6000;
	s12 =	simm.s32 $0x0;
	[smem:$0x7FF] =	sst s1  }
0x9: {  	s1 =	sand.u32 $0x1, s25;
	s4 =	sadd.s32 $0x600, s0;
	s6 =	sshll.u32 s5, $0x3  }
0xa: {  	s5 =	sadd.s32 $0xF42A00, s0;
	s25 =	simm.s32 $0x4000;
	s2 =	ssub.s32 $0x2, s1  }
0xb: {  	_ =	strace $0x80000047;
	s1 =	sshll.u32 s1, $0x2;
	s3 =	sshrl.u32 s2, $0x1  }
0xc: {  	s6 =	sor.u32 s1, s6;
	s1 =	simm.s32 $0x1;
	s26 =	ssub.s32 s2, s3  }
0xd: {  	s3 =	simm.s32 $0x5C00;
	s2 =	simm.s32 $0xE400;
	s0 =	smax.u32 s26, $0x1  }
0xe: {  	v0 =	vimm.f32 $0.0e+00;
	s26 =	simm.s32 $0x4400;
	[dreg:$0x3] =	wrdreg s0;
	s0 =	simm.s32 $0x5800  }
.LBB2_1:
0xf: {  	[dreg:$0x4] =	wrdreg s12;
	s11 =	simm.s32 $0x0  }
.LBB2_2:
0x10: {  	s12 =	sadd.s32 s6, s11  }
0x11: {  	s13 =	smul.u32 $0xC80, s12;
	_ =	sdelay $0x1  }
0x12: {  	s14 =	simm.s32 $0x0;
	s13 =	sadd.s32 s4, s13  }
0x13: {  	[tilespmem:s14], [sflag:$0x2] =	stream.linear.gather [hbm4b:s13+s14], $0x6400, $0x38;
	[tilespmem:$0xF400] =	vst v63  }
0x14: {  	_ =	swait.ge [sflag:s8], $0x6400  }
0x15: {  	[sflag:s8] =	ssyncset.done $0x0  }
0x16: {  	s13 =	simm.s32 $0x80;
	s14 =	simm.s32 $0x0;
	[sflag:s8] =	ssyncadd.s32 $0xFFFF9C00  }
.LBB2_3:
0x17: {  	p0 =	sne.s32 s13, $0x1FF80;
	[tilespmem:s14+$0x6400] =	vst v0;
	s15 =	smov.u32 s13;
	s13 =	sadd.s32 $0x80, s13  }
.Ltmp0:
0x18: {  	[tilespmem:s14+$0x6410] =	vst v0;
	(pc) =	sbr.rel @p0 .LBB2_3-.Ltmp0, $2  }
0x19: {  	_ =	sdelay $0x2  }
0x1a: {  	s14 =	sshra.s32 s15, $0x2  }
0x1b: {  	[tilespmem:s14+$0x6400] =	vst v0  }
0x1c: {  	[tilespmem:s14+$0x6410] =	vst v0;
	s13 =	simm.s32 $0x0  }
0x1d: {  	[tilespmem:s10], [sflag:$0x1] =	stream.indirect.gather.add.f32 [hbm:s5], $0x20, s13, s9, $0xb8;
	[tilespmem:$0xF400] =	vst v63  }
0x1e: {  	_ = 	snop  }
0x1f: {  	[tilespmem:s10], [sflag:$0x1] =	stream.indirect.gather.add.f32 [hbm:s5], $0x20, s9, s9, $0xb8;
	[tilespmem:$0xF400] =	vst v63  }
0x20: {  	s15 =	simm.s32 $0x800  }
0x21: {  	[tilespmem:s10], [sflag:$0x1] =	stream.indirect.gather.add.f32 [hbm:s5], $0x20, s15, s9, $0xb8;
	[tilespmem:$0xF400] =	vst v63  }
0x22: {  	s14 =	simm.s32 $0xC00  }
0x23: {  	[tilespmem:s10], [sflag:$0x1] =	stream.indirect.gather.add.f32 [hbm:s5], $0x20, s14, s9, $0xb8;
	[tilespmem:$0xF400] =	vst v63  }
0x24: {  	s15 =	simm.s32 $0x1000  }
0x25: {  	[tilespmem:s10], [sflag:$0x1] =	stream.indirect.gather.add.f32 [hbm:s5], $0x20, s15, s9, $0xb8;
	[tilespmem:$0xF400] =	vst v63  }
0x26: {  	s14 =	simm.s32 $0x1400  }
0x27: {  	[tilespmem:s10], [sflag:$0x1] =	stream.indirect.gather.add.f32 [hbm:s5], $0x20, s14, s9, $0xb8;
	[tilespmem:$0xF400] =	vst v63  }
0x28: {  	s15 =	simm.s32 $0x1800  }
0x29: {  	[tilespmem:s10], [sflag:$0x1] =	stream.indirect.gather.add.f32 [hbm:s5], $0x20, s15, s9, $0xb8;
	[tilespmem:$0xF400] =	vst v63  }
0x2a: {  	_ = 	snop  }
0x2b: {  	[tilespmem:s10], [sflag:$0x1] =	stream.indirect.gather.add.f32 [hbm:s5], $0x20, s16, s9, $0xb8;
	[tilespmem:$0xF400] =	vst v63  }
0x2c: {  	_ = 	snop  }
0x2d: {  	[tilespmem:s10], [sflag:$0x1] =	stream.indirect.gather.add.f32 [hbm:s5], $0x20, s17, s9, $0xb8;
	[tilespmem:$0xF400] =	vst v63  }
0x2e: {  	_ = 	snop  }
0x2f: {  	[tilespmem:s10], [sflag:$0x1] =	stream.indirect.gather.add.f32 [hbm:s5], $0x20, s18, s9, $0xb8;
	[tilespmem:$0xF400] =	vst v63  }
0x30: {  	_ = 	snop  }
0x31: {  	[tilespmem:s10], [sflag:$0x1] =	stream.indirect.gather.add.f32 [hbm:s5], $0x20, s19, s9, $0xb8;
	[tilespmem:$0xF400] =	vst v63  }
0x32: {  	_ = 	snop  }
0x33: {  	[tilespmem:s10], [sflag:$0x1] =	stream.indirect.gather.add.f32 [hbm:s5], $0x20, s20, s9, $0xb8;
	[tilespmem:$0xF400] =	vst v63  }
0x34: {  	_ = 	snop  }
0x35: {  	[tilespmem:s10], [sflag:$0x1] =	stream.indirect.gather.add.f32 [hbm:s5], $0x20, s21, s9, $0xb8;
	[tilespmem:$0xF400] =	vst v63  }
0x36: {  	_ = 	snop  }
0x37: {  	[tilespmem:s10], [sflag:$0x1] =	stream.indirect.gather.add.f32 [hbm:s5], $0x20, s22, s9, $0xb8;
	[tilespmem:$0xF400] =	vst v63  }
0x38: {  	_ = 	snop  }
0x39: {  	[tilespmem:s10], [sflag:$0x1] =	stream.indirect.gather.add.f32 [hbm:s5], $0x20, s23, s9, $0xb8;
	[tilespmem:$0xF400] =	vst v63  }
0x3a: {  	_ = 	snop  }
0x3b: {  	[tilespmem:s10], [sflag:$0x1] =	stream.indirect.gather.add.f32 [hbm:s5], $0x20, s24, s9, $0xb8;
	[tilespmem:$0xF400] =	vst v63  }
0x3c: {  	_ = 	snop  }
0x3d: {  	[tilespmem:s10], [sflag:$0x1] =	stream.indirect.gather.add.f32 [hbm:s5], $0x20, s25, s9, $0xb8;
	[tilespmem:$0xF400] =	vst v63  }
0x3e: {  	_ = 	snop  }
0x3f: {  	[tilespmem:s10], [sflag:$0x1] =	stream.indirect.gather.add.f32 [hbm:s5], $0x20, s26, s9, $0xb8;
	[tilespmem:$0xF400] =	vst v63  }
0x40: {  	_ = 	snop  }
0x41: {  	[tilespmem:s10], [sflag:$0x1] =	stream.indirect.gather.add.f32 [hbm:s5], $0x20, s28, s9, $0xb8;
	[tilespmem:$0xF400] =	vst v63  }
0x42: {  	_ = 	snop  }
0x43: {  	[tilespmem:s10], [sflag:$0x1] =	stream.indirect.gather.add.f32 [hbm:s5], $0x20, s29, s9, $0xb8;
	[tilespmem:$0xF400] =	vst v63  }
0x44: {  	_ = 	snop  }
0x45: {  	[tilespmem:s10], [sflag:$0x1] =	stream.indirect.gather.add.f32 [hbm:s5], $0x20, s30, s9, $0xb8;
	[tilespmem:$0xF400] =	vst v63  }
0x46: {  	_ = 	snop  }
0x47: {  	[tilespmem:s10], [sflag:$0x1] =	stream.indirect.gather.add.f32 [hbm:s5], $0x20, s31, s9, $0xb8;
	[tilespmem:$0xF400] =	vst v63  }
0x48: {  	_ = 	snop  }
0x49: {  	[tilespmem:s10], [sflag:$0x1] =	stream.indirect.gather.add.f32 [hbm:s5], $0x20, s0, s9, $0xb8;
	[tilespmem:$0xF400] =	vst v63  }
0x4a: {  	_ = 	snop  }
0x4b: {  	[tilespmem:s10], [sflag:$0x1] =	stream.indirect.gather.add.f32 [hbm:s5], $0x20, s3, s9, $0xb8;
	[tilespmem:$0xF400] =	vst v63  }
0x4c: {  	_ = 	snop  }
0x4d: {  	[tilespmem:s10], [sflag:$0x1] =	stream.indirect.gather.add.f32 [hbm:s5], $0x20, s7, s9, $0xb8;
	[tilespmem:$0xF400] =	vst v63  }
0x4e: {  	_ =	swait.ge [sflag:s1], $0x8000  }
0x4f: {  	[sflag:s1] =	ssyncset.done $0x0  }
0x50: {  	[sflag:s1] =	ssyncadd.s32 $0xFFFF8000  }
0x51: {  	_ =	swait.ge [sflag:s1], $0x8000  }
0x52: {  	[sflag:s1] =	ssyncset.done $0x0  }
0x53: {  	[sflag:s1] =	ssyncadd.s32 $0xFFFF8000  }
0x54: {  	_ =	swait.ge [sflag:s1], $0x8000  }
0x55: {  	[sflag:s1] =	ssyncset.done $0x0  }
0x56: {  	[sflag:s1] =	ssyncadd.s32 $0xFFFF8000  }
0x57: {  	_ =	swait.ge [sflag:s1], $0x8000  }
0x58: {  	[sflag:s1] =	ssyncset.done $0x0  }
0x59: {  	[sflag:s1] =	ssyncadd.s32 $0xFFFF8000  }
0x5a: {  	_ =	swait.ge [sflag:s1], $0x8000  }
0x5b: {  	[sflag:s1] =	ssyncset.done $0x0  }
0x5c: {  	[sflag:s1] =	ssyncadd.s32 $0xFFFF8000  }
0x5d: {  	_ =	swait.ge [sflag:s1], $0x8000  }
0x5e: {  	[sflag:s1] =	ssyncset.done $0x0  }
0x5f: {  	[sflag:s1] =	ssyncadd.s32 $0xFFFF8000  }
0x60: {  	_ =	swait.ge [sflag:s1], $0x8000  }
0x61: {  	[sflag:s1] =	ssyncset.done $0x0  }
0x62: {  	[sflag:s1] =	ssyncadd.s32 $0xFFFF8000  }
0x63: {  	_ =	swait.ge [sflag:s1], $0x8000  }
0x64: {  	[sflag:s1] =	ssyncset.done $0x0  }
0x65: {  	[sflag:s1] =	ssyncadd.s32 $0xFFFF8000  }
0x66: {  	_ =	swait.ge [sflag:s1], $0x8000  }
0x67: {  	[sflag:s1] =	ssyncset.done $0x0  }
0x68: {  	[sflag:s1] =	ssyncadd.s32 $0xFFFF8000  }
0x69: {  	_ =	swait.ge [sflag:s1], $0x8000  }
0x6a: {  	[sflag:s1] =	ssyncset.done $0x0  }
0x6b: {  	[sflag:s1] =	ssyncadd.s32 $0xFFFF8000  }
0x6c: {  	_ =	swait.ge [sflag:s1], $0x8000  }
0x6d: {  	[sflag:s1] =	ssyncset.done $0x0  }
0x6e: {  	[sflag:s1] =	ssyncadd.s32 $0xFFFF8000  }
0x6f: {  	_ =	swait.ge [sflag:s1], $0x8000  }
0x70: {  	[sflag:s1] =	ssyncset.done $0x0  }
0x71: {  	[sflag:s1] =	ssyncadd.s32 $0xFFFF8000  }
0x72: {  	_ =	swait.ge [sflag:s1], $0x8000  }
0x73: {  	[sflag:s1] =	ssyncset.done $0x0  }
0x74: {  	[sflag:s1] =	ssyncadd.s32 $0xFFFF8000  }
0x75: {  	_ =	swait.ge [sflag:s1], $0x8000  }
0x76: {  	[sflag:s1] =	ssyncset.done $0x0  }
0x77: {  	[sflag:s1] =	ssyncadd.s32 $0xFFFF8000  }
0x78: {  	_ =	swait.ge [sflag:s1], $0x8000  }
0x79: {  	[sflag:s1] =	ssyncset.done $0x0  }
0x7a: {  	[sflag:s1] =	ssyncadd.s32 $0xFFFF8000  }
0x7b: {  	_ =	swait.ge [sflag:s1], $0x8000  }
0x7c: {  	[sflag:s1] =	ssyncset.done $0x0  }
0x7d: {  	[sflag:s1] =	ssyncadd.s32 $0xFFFF8000  }
0x7e: {  	_ =	swait.ge [sflag:s1], $0x8000  }
0x7f: {  	[sflag:s1] =	ssyncset.done $0x0  }
0x80: {  	[sflag:s1] =	ssyncadd.s32 $0xFFFF8000  }
0x81: {  	_ =	swait.ge [sflag:s1], $0x8000  }
0x82: {  	[sflag:s1] =	ssyncset.done $0x0  }
0x83: {  	[sflag:s1] =	ssyncadd.s32 $0xFFFF8000  }
0x84: {  	_ =	swait.ge [sflag:s1], $0x8000  }
0x85: {  	[sflag:s1] =	ssyncset.done $0x0  }
0x86: {  	[sflag:s1] =	ssyncadd.s32 $0xFFFF8000  }
0x87: {  	_ =	swait.ge [sflag:s1], $0x8000  }
0x88: {  	[sflag:s1] =	ssyncset.done $0x0  }
0x89: {  	[sflag:s1] =	ssyncadd.s32 $0xFFFF8000  }
0x8a: {  	_ =	swait.ge [sflag:s1], $0x8000  }
0x8b: {  	[sflag:s1] =	ssyncset.done $0x0  }
0x8c: {  	[sflag:s1] =	ssyncadd.s32 $0xFFFF8000  }
0x8d: {  	_ =	swait.ge [sflag:s1], $0x8000  }
0x8e: {  	[sflag:s1] =	ssyncset.done $0x0  }
0x8f: {  	[sflag:s1] =	ssyncadd.s32 $0xFFFF8000  }
0x90: {  	_ =	swait.ge [sflag:s1], $0x8000  }
0x91: {  	[sflag:s1] =	ssyncset.done $0x0  }
0x92: {  	[sflag:s1] =	ssyncadd.s32 $0xFFFF8000  }
0x93: {  	_ =	swait.ge [sflag:s1], $0x8000  }
0x94: {  	[sflag:s1] =	ssyncset.done $0x0  }
0x95: {  	[sflag:s1] =	ssyncadd.s32 $0xFFFF8000  }
0x96: {  	_ =	swait.ge [sflag:s1], $0x8000  }
0x97: {  	[sflag:s1] =	ssyncset.done $0x0  }
0x98: {  	s13 =	simm.s32 $0x0;
	[sflag:s1] =	ssyncadd.s32 $0xFFFF8000  }
0x99: {  	v1 =	vld [tilespmem:s13+$0x6410]  }
0x9a: {  	v2 =	vld [tilespmem:s13+$0x7410]  }
0x9b: {  	v3 =	vld [tilespmem:s13+$0x6400]  }
0x9c: {  	v4 =	vld [tilespmem:s13+$0x8410]  }
0x9d: {  	v5 =	vld [tilespmem:s13+$0x7400]  }
0x9e: {  	v6 =	vld [tilespmem:s13+$0x9410]  }
0x9f: {  	v7 =	vld [tilespmem:s13+$0x8400];
	v1 =	vadd.f32 v2, v1  }
0xa0: {  	v2 =	vld [tilespmem:s13+$0xA410]  }
0xa1: {  	v8 =	vld [tilespmem:s13+$0x9400];
	v1 =	vadd.f32 v4, v1  }
0xa2: {  	v9 =	vld [tilespmem:s13+$0xB410];
	v3 =	vadd.f32 v5, v3  }
0xa3: {  	v10 =	vld [tilespmem:s13+$0xA400];
	v1 =	vadd.f32 v6, v1  }
0xa4: {  	v11 =	vld [tilespmem:s13+$0xC410];
	v4 =	vadd.f32 v7, v3  }
0xa5: {  	v3 =	vld [tilespmem:s13+$0xB400];
	v1 =	vadd.f32 v2, v1  }
0xa6: {  	v5 =	vld [tilespmem:s13+$0xD410];
	v6 =	vadd.f32 v8, v4  }
0xa7: {  	v4 =	vld [tilespmem:s13+$0xC400];
	v7 =	vadd.f32 v9, v1  }
0xa8: {  	s14 =	simm.s32 $0x20;
	v2 =	vld [tilespmem:s13+$0xD400];
	v6 =	vadd.f32 v10, v6  }
0xa9: {  	s15 =	simm.s32 $0x100;
	v1 =	vld [tilespmem:s14+$0x6410];
	v7 =	vadd.f32 v11, v7  }
.LBB2_5:
0xaa: {  	p0 =	sne.s32 s15, $0x3F80;
	v8 =	vld [tilespmem:s14+$0x7410];
	v3 =	vadd.f32 v3, v6  }
0xab: {  	v6 =	vld [tilespmem:s14+$0x6400];
	v5 =	vadd.f32 v5, v7  }
0xac: {  	v7 =	vld [tilespmem:s14+$0x8410];
	v3 =	vadd.f32 v4, v3  }
0xad: {  	v4 =	vld [tilespmem:s14+$0x7400];
	[tilespmem:s13+$0xE410] =	vst v5  }
0xae: {  	v5 =	vld [tilespmem:s14+$0x9410];
	v2 =	vadd.f32 v2, v3  }
0xaf: {  	v3 =	vld [tilespmem:s14+$0x8400];
	v1 =	vadd.f32 v8, v1  }
0xb0: {  	v8 =	vld [tilespmem:s14+$0xA410];
	[tilespmem:s13+$0xE400] =	vst v2;
	s13 =	smov.u32 s14  }
0xb1: {  	v2 =	vld [tilespmem:s13+$0x9400];
	v1 =	vadd.f32 v7, v1  }
0xb2: {  	v4 =	vadd.f32 v4, v6;
	v6 =	vld [tilespmem:s13+$0xB410]  }
0xb3: {  	v7 =	vld [tilespmem:s13+$0xA400];
	v1 =	vadd.f32 v5, v1  }
0xb4: {  	v4 =	vadd.f32 v3, v4;
	v9 =	vld [tilespmem:s13+$0xC410]  }
.Ltmp1:
0xb5: {  	v3 =	vld [tilespmem:s13+$0xB400];
	v1 =	vadd.f32 v8, v1;
	(pc) =	sbr.rel @p0 .LBB2_5-.Ltmp1, $4  }
0xb6: {  	v2 =	vadd.f32 v2, v4;
	v5 =	vld [tilespmem:s13+$0xD410]  }
0xb7: {  	v4 =	vld [tilespmem:s13+$0xC400];
	v8 =	vadd.f32 v6, v1  }
0xb8: {  	s14 =	sshra.s32 s15, $0x2;
	v6 =	vadd.f32 v7, v2;
	v2 =	vld [tilespmem:s13+$0xD400]  }
0xb9: {  	s15 =	sadd.s32 $0x80, s15;
	v1 =	vld [tilespmem:s14+$0x6410];
	v7 =	vadd.f32 v9, v8  }
0xba: {  	v8 =	vld [tilespmem:s14+$0x7410];
	v3 =	vadd.f32 v3, v6  }
0xbb: {  	v9 =	vld [tilespmem:s14+$0x6400];
	v5 =	vadd.f32 v5, v7  }
0xbc: {  	v55 =	vld [tilespmem:s14+$0x8410];
	v3 =	vadd.f32 v4, v3  }
0xbd: {  	v56 =	vld [tilespmem:s14+$0x7400];
	[tilespmem:s13+$0xE410] =	vst v5  }
0xbe: {  	v57 =	vld [tilespmem:s14+$0x9410];
	v2 =	vadd.f32 v2, v3  }
0xbf: {  	v3 =	vld [tilespmem:s14+$0x8400]  }
0xc0: {  	v5 =	vld [tilespmem:s14+$0xA410];
	[tilespmem:s13+$0xE400] =	vst v2  }
0xc1: {  	v1 =	vadd.f32 v8, v1;
	v2 =	vld [tilespmem:s14+$0x9400]  }
0xc2: {  	v7 =	vadd.f32 v56, v9  }
0xc3: {  	v1 =	vadd.f32 v55, v1;
	v58 =	vld [tilespmem:s14+$0xA400]  }
0xc4: {  	v59 =	vld [tilespmem:s14+$0xB410];
	v3 =	vadd.f32 v3, v7  }
0xc5: {  	v60 =	vld [tilespmem:s14+$0xB400];
	v1 =	vadd.f32 v57, v1  }
0xc6: {  	v61 =	vld [tilespmem:s14+$0xC410];
	v2 =	vadd.f32 v2, v3  }
0xc7: {  	v1 =	vadd.f32 v5, v1;
	v3 =	vld [tilespmem:s14+$0xC400]  }
0xc8: {  	v62 =	vld [tilespmem:s14+$0xD410];
	v2 =	vadd.f32 v58, v2  }
0xc9: {  	v63 =	vld [tilespmem:s14+$0xD400];
	v1 =	vadd.f32 v59, v1  }
0xca: {  	v2 =	vadd.f32 v60, v2  }
0xcb: {  	v1 =	vadd.f32 v61, v1  }
0xcc: {  	v2 =	vadd.f32 v3, v2  }
0xcd: {  	v1 =	vadd.f32 v62, v1  }
0xce: {  	v2 =	vadd.f32 v63, v2  }
0xcf: {  	s11 =	sadd.s32 $0x1, s11;
	[tilespmem:s14+$0xE410] =	vst v1  }
0xd0: {  	s12 =	sshll.u32 s12, $0x9;
	p0 =	sne.s32 s11, $0x4;
	[tilespmem:s14+$0xE400] =	vst v2;
	s14 =	rddreg [dreg:$0x1]  }
.Ltmp2:
0xd1: {  	s15 =	simm.s32 $0x0;
	s12 =	sadd.s32 s14, s12;
	(pc) =	sbr.rel @p0 .LBB2_2-.Ltmp2, $4  }
0xd2: {  	[hbm4b:s12+s15] =	stream.linear.scatter [tilespmem:s2], [sflag:$0x2], $0x1000, $0x38;
	[tilespmem:$0xF400] =	vst v63  }
0xd3: {  	_ =	swait.ge [sflag:s8], $0x1000  }
0xd4: {  	[sflag:s8] =	ssyncset.done $0x0  }
0xd5: {  	[sflag:s8] =	ssyncadd.s32 $0xFFFFF000  }
0xd6: {  	s12 =	rddreg [dreg:$0x4]  }
0xd7: {  	s11 =	rddreg [dreg:$0x3];
	s12 =	sadd.s32 $0x1, s12  }
0xd8: {  	p0 =	sne.s32 s12, s11  }
.Ltmp3:
0xd9: {  	_ = 	snop;
	(pc) =	sbr.rel @p0 .LBB2_1-.Ltmp3, $1  }
0xda: {  	_ =	sdelay $0x3  }
0xdb: {  	_ =	sfence.sel $0x180000  }
0xdc: {  	[bflag:$0x0] =	sbarrier.arrive $0xFFFF  }
0xdd: {  	_ =	strace $0x90000047  }
0xde: {  	s0 =	stileid.u32;
	[bflag:$0x2] =	sbarrier.arrive $0xFFFF  }
0xdf: {  	p0 =	sne.s32 s0, $0x0;
	s0 =	rddreg [dreg:$0x2]  }
0xe0: {  	s0 =	sadd.s32 @!p0 $0x100000, s0  }
0xe1: {  	[sflag:s0] =	ssyncadd.tile.s32 @!p0 $0x1;
	_ =	shalt  }
.Lfunc_end2:
_tile_overlayer_lowered:
.L_overlay_start_2:
0xe2: {  	(tag) =	ssettag $0x2  }
0xe3: {  	s0 =	rddreg [dreg:$0x0];
	s2 =	stileid.u32  }
0xe4: {  	s1 =	rddreg [dreg:$0x1];
	p0 =	sne.s32 s2, $0x0  }
0xe5: {  	s3 =	rddreg [dreg:$0x2];
	[bflag:$0x3] =	sbarrier.arrive $0xFFFF;
	s2 =	simm.s32 @!p0 $0x1C02  }
0xe6: {  	[timem:s3], [sflag:s2] =	dma.local @!p0 [hbm:s0], s1  }
0xe7: {  	s0 =	simm.s32 @!p0 $0x2  }
0xe8: {  	_ =	swait.ge @!p0 [sflag:s0], s1  }
0xe9: {  	s1 =	ssub.s32 @!p0 $0x0, s1;
	[sflag:s0] =	ssyncset.done @!p0 $0x0  }
0xea: {  	[sflag:s0] =	ssyncadd.s32 @!p0 s1  }
0xeb: {  	[bflag:$0x3] =	sbarrier.arrive $0xFFFF  }
0xec: {  	_ =	shalt  }

</sc_bundles>
